<compile_context>
chip_gen: v7x
topology: tpu7x:2x2x1
jax: 0.10.2.dev20260603
libtpu: 0.0.44.dev20260713+nightly
codegen_flags: <defaults>
</compile_context>

<pallas_src>
import functools

import jax
import jax.numpy as jnp
from jax import lax
from jax.experimental import pallas as pl
from jax.experimental.pallas import tpu as pltpu
from jax.experimental.pallas import tpu_sc as plsc

VOCAB = 1000000
EMB_DIM = 64
HIDDEN = 128
BATCH = 16384
EPS = 1e-3

NC = 2
NS = 16
NW = NC * NS
B_TOT = 3 * BATCH
B_PER_W = B_TOT // NW
CHUNK = 128
N_CHUNKS = B_PER_W // CHUNK

_sc_mesh = plsc.VectorSubcoreMesh(core_axis_name="c", subcore_axis_name="s")


@functools.partial(
    pl.kernel,
    out_type=jax.ShapeDtypeStruct((B_TOT, 2 * EMB_DIM), jnp.float32),
    mesh=_sc_mesh,
    scratch_types=[
        pltpu.VMEM((N_CHUNKS, CHUNK), jnp.int32),
        pltpu.VMEM((CHUNK, 2 * EMB_DIM), jnp.float32),
        pltpu.SemaphoreType.DMA,
    ],
    compiler_params=pltpu.CompilerParams(
        use_tc_tiling_on_sc=True, needs_layout_passes=False
    ),
)
def _sc_gather(idx_hbm, table_hbm, out_hbm, idx_v, rows_v, sem):
    wid = lax.axis_index("s") * NC + lax.axis_index("c")
    base = wid * B_PER_W
    pltpu.sync_copy(idx_hbm.at[wid], idx_v)

    def chunk_body(j, carry):
        pltpu.async_copy(table_hbm.at[idx_v.at[j]], rows_v, sem).wait()
        pltpu.sync_copy(rows_v, out_hbm.at[pl.ds(base + j * CHUNK, CHUNK)])
        return carry

    lax.fori_loop(0, N_CHUNKS, chunk_body, 0, unroll=False)


BM = 2048
NB = BATCH // BM


def _mlp_body(e_ref, w1_ref, b1_ref, gamma_ref, beta_ref, mm_ref, mv_ref,
              w2_ref, b2_ref, oa_ref, op_ref, on_ref):
    j = pl.program_id(0)
    e = e_ref[:, :EMB_DIM]
    h = jnp.dot(e, w1_ref[...], preferred_element_type=jnp.float32)
    h = jnp.maximum(h + b1_ref[...], 0.0)
    scale = gamma_ref[...] * lax.rsqrt(mv_ref[...] + EPS)
    shift = beta_ref[...] - mm_ref[...] * scale
    h = h * scale + shift
    o = jnp.dot(h, w2_ref[...], preferred_element_type=jnp.float32)
    o = o + b2_ref[...]

    @pl.when(j < NB)
    def _():
        oa_ref[...] = o

    @pl.when(jnp.logical_and(j >= NB, j < 2 * NB))
    def _():
        op_ref[...] = o

    @pl.when(j >= 2 * NB)
    def _():
        on_ref[...] = o


def _mlp_call(gathered, w1, b1, gamma, beta, mm, mv, w2, b2):
    vec_spec = pl.BlockSpec((1, HIDDEN), lambda j: (0, 0))
    out_shape = jax.ShapeDtypeStruct((BATCH, HIDDEN), jnp.float32)

    def out_map(i):
        return lambda j, i=i: (jnp.clip(j - i * NB, 0, NB - 1), 0)

    return pl.pallas_call(
        _mlp_body,
        grid=(3 * NB,),
        in_specs=[
            pl.BlockSpec((BM, 2 * EMB_DIM), lambda j: (j, 0)),
            pl.BlockSpec((EMB_DIM, HIDDEN), lambda j: (0, 0)),
            vec_spec, vec_spec, vec_spec, vec_spec, vec_spec,
            pl.BlockSpec((HIDDEN, HIDDEN), lambda j: (0, 0)),
            vec_spec,
        ],
        out_specs=[
            pl.BlockSpec((BM, HIDDEN), out_map(0)),
            pl.BlockSpec((BM, HIDDEN), out_map(1)),
            pl.BlockSpec((BM, HIDDEN), out_map(2)),
        ],
        out_shape=[out_shape, out_shape, out_shape],
    )(gathered, w1, b1, gamma, beta, mm, mv, w2, b2)


def kernel(anchor, positive, negative, emb_table, W1, b1, gamma, beta,
           moving_mean, moving_var, W2, b2):
    idx = jnp.concatenate([anchor, positive, negative]).astype(jnp.int32)
    idx = idx.reshape(NW, N_CHUNKS, CHUNK)
    padded = jnp.pad(emb_table, ((0, 0), (0, EMB_DIM)))
    gathered = _sc_gather(idx, padded)

    b1r = b1.reshape(1, HIDDEN)
    gr = gamma.reshape(1, HIDDEN)
    br = beta.reshape(1, HIDDEN)
    mmr = moving_mean.reshape(1, HIDDEN)
    mvr = moving_var.reshape(1, HIDDEN)
    b2r = b2.reshape(1, HIDDEN)

    oa, op, on = _mlp_call(gathered, W1, b1r, gr, br, mmr, mvr, W2, b2r)
    return (oa, op, on)

# --- scband reference (transcript-rebuilt; emitter-appended) ---
"""Pipeline reference for scband-triplet-model-43800076485227 (READ-ONLY COPY).

The authoritative reference and input builder live on the scoring server;
editing this copy changes nothing except your own understanding.
"""

import jax, jax.numpy as jnp
import numpy as np

VOCAB = 1000000
EMB_DIM = 64
HIDDEN = 128
BATCH = 16384
EPS = 1e-3


def setup_inputs(seed: int = 0) -> dict:
    key = jax.random.key(seed)
    ks = jax.random.split(key, 8)
    anchor = jax.random.randint(ks[0], (BATCH,), 0, VOCAB, dtype=jnp.int64 if jax.config.jax_enable_x64 else jnp.int32)
    positive = jax.random.randint(ks[1], (BATCH,), 0, VOCAB, dtype=jnp.int64 if jax.config.jax_enable_x64 else jnp.int32)
    negative = jax.random.randint(ks[2], (BATCH,), 0, VOCAB, dtype=jnp.int64 if jax.config.jax_enable_x64 else jnp.int32)
    emb_table = jax.random.normal(ks[3], (VOCAB, EMB_DIM), dtype=jnp.float32) * 0.05
    W1 = jax.random.normal(ks[4], (EMB_DIM, HIDDEN), dtype=jnp.float32) * (1.0 / np.sqrt(EMB_DIM))
    b1 = jnp.zeros((HIDDEN,), dtype=jnp.float32)
    gamma = jnp.ones((HIDDEN,), dtype=jnp.float32)
    beta = jnp.zeros((HIDDEN,), dtype=jnp.float32)
    moving_mean = jnp.zeros((HIDDEN,), dtype=jnp.float32)
    moving_var = jnp.ones((HIDDEN,), dtype=jnp.float32)
    W2 = jax.random.normal(ks[5], (HIDDEN, HIDDEN), dtype=jnp.float32) * (1.0 / np.sqrt(HIDDEN))
    b2 = jnp.zeros((HIDDEN,), dtype=jnp.float32)
    return {
        "anchor": anchor,
        "positive": positive,
        "negative": negative,
        "emb_table": emb_table,
        "W1": W1,
        "b1": b1,
        "gamma": gamma,
        "beta": beta,
        "moving_mean": moving_mean,
        "moving_var": moving_var,
        "W2": W2,
        "b2": b2,
    }


def _dense_network(e, W1, b1, gamma, beta, moving_mean, moving_var, W2, b2):
    h = jnp.dot(e, W1) + b1
    h = jax.nn.relu(h)
    # BatchNormalization in inference mode (moving statistics); Dropout is identity at inference
    h = gamma * (h - moving_mean) / jnp.sqrt(moving_var + EPS) + beta
    out = jnp.dot(h, W2) + b2
    return out


def reference(anchor, positive, negative, emb_table, W1, b1, gamma, beta, moving_mean, moving_var, W2, b2):
    ea = jnp.take(emb_table, anchor, axis=0)
    ep = jnp.take(emb_table, positive, axis=0)
    en = jnp.take(emb_table, negative, axis=0)
    oa = _dense_network(ea, W1, b1, gamma, beta, moving_mean, moving_var, W2, b2)
    op = _dense_network(ep, W1, b1, gamma, beta, moving_mean, moving_var, W2, b2)
    on = _dense_network(en, W1, b1, gamma, beta, moving_mean, moving_var, W2, b2)
    return (oa, op, on)

if __name__ == "__main__":
    import jax
    _d = setup_inputs()
    print(jax.jit(kernel)(*tuple(_d.values())))

</pallas_src>

<mosaic_0001>
#map = affine_map<(d0, d1) -> (0, 0, 0)>
#map1 = affine_map<(d0, d1) -> (0, 0)>
module attributes {stable_mosaic.version = 14 : i64} {
  func.func @_sc_gather(%arg0: i32, %arg1: i32, %arg2: memref<32x12x128xi32, #tpu.memory_space<hbm>>, %arg3: memref<1000000x128xf32, #tpu.memory_space<hbm>>, %arg4: memref<49152x128xf32, #tpu.memory_space<hbm>>, %arg5: memref<12x128xi32, #tpu.memory_space<vmem>>, %arg6: memref<128x128xf32, #tpu.memory_space<vmem>>, %arg7: memref<!tpu.dma_semaphore, #tpu.memory_space<semaphore_mem>>) attributes {dimension_semantics = [#tpu.dimension_semantics<core_parallel>, #tpu.dimension_semantics<subcore_parallel>], iteration_bounds = array<i64: 2, 16>, scalar_prefetch = 0 : i64, scratch_operands = 3 : i64, tpu.core_type = #tpu.core_type<sc_vector_subcore>, window_params = [{transform_indices = #map}, {transform_indices = #map1}, {transform_indices = #map1}]} {
    %mul3A = arith.constant 2 : i32
    %mul3A_0 = arith.muli %arg1, %mul3A : i32
    %add3A = arith.addi %mul3A_0, %arg0 : i32
    %mul3A_1 = arith.constant 1536 : i32
    %mul3A_2 = arith.muli %add3A, %mul3A_1 : i32
    "tpu.region"() ({
      %run_scoped3A = tpu.sem_alloc : memref<!tpu.dma_semaphore, #tpu.memory_space<semaphore_mem>>
      %dma_start3A = arith.constant 0 : i32
      %dma_start3A_8 = arith.constant 0 : i32
      %dma_start3A_9 = tpu.memref_slice %arg2[%add3A, %dma_start3A, %dma_start3A_8] : memref<32x12x128xi32, #tpu.memory_space<hbm>> -> memref<1x12x128xi32, #tpu.memory_space<hbm>>
      %dma_start3A_10 = tpu.memref_squeeze %dma_start3A_9 : memref<1x12x128xi32, #tpu.memory_space<hbm>> -> memref<12x128xi32, #tpu.memory_space<hbm>>
      %dma_start3A_11 = arith.constant 0 : i32
      %dma_start3A_12 = arith.constant 0 : i32
      %dma_start3A_13 = tpu.memref_slice %arg2[%add3A, %dma_start3A_11, %dma_start3A_12] : memref<32x12x128xi32, #tpu.memory_space<hbm>> -> memref<1x12x128xi32, #tpu.memory_space<hbm>>
      %dma_start3A_14 = tpu.memref_squeeze %dma_start3A_13 : memref<1x12x128xi32, #tpu.memory_space<hbm>> -> memref<12x128xi32, #tpu.memory_space<hbm>>
      tpu.enqueue_dma source(%dma_start3A_14 : memref<12x128xi32, #tpu.memory_space<hbm>>) target(%arg5 : memref<12x128xi32, #tpu.memory_space<vmem>>) target_semaphore(%run_scoped3A : memref<!tpu.dma_semaphore, #tpu.memory_space<semaphore_mem>>)
      %dma_wait3A = arith.constant 0 : i32
      %dma_wait3A_15 = arith.constant 0 : i32
      %dma_wait3A_16 = tpu.memref_slice %arg2[%add3A, %dma_wait3A, %dma_wait3A_15] : memref<32x12x128xi32, #tpu.memory_space<hbm>> -> memref<1x12x128xi32, #tpu.memory_space<hbm>>
      %dma_wait3A_17 = tpu.memref_squeeze %dma_wait3A_16 : memref<1x12x128xi32, #tpu.memory_space<hbm>> -> memref<12x128xi32, #tpu.memory_space<hbm>>
      %dma_wait3A_18 = arith.constant 0 : i32
      %dma_wait3A_19 = arith.constant 0 : i32
      %dma_wait3A_20 = tpu.memref_slice %arg2[%add3A, %dma_wait3A_18, %dma_wait3A_19] : memref<32x12x128xi32, #tpu.memory_space<hbm>> -> memref<1x12x128xi32, #tpu.memory_space<hbm>>
      %dma_wait3A_21 = tpu.memref_squeeze %dma_wait3A_20 : memref<1x12x128xi32, #tpu.memory_space<hbm>> -> memref<12x128xi32, #tpu.memory_space<hbm>>
      tpu.wait_dma2 semaphore(%run_scoped3A : memref<!tpu.dma_semaphore, #tpu.memory_space<semaphore_mem>>) src(%dma_wait3A_21 : memref<12x128xi32, #tpu.memory_space<hbm>>) dst(%arg5 : memref<12x128xi32, #tpu.memory_space<vmem>>)
      tpu.yield
    }) : () -> ()
    %scan3A = arith.constant 0 : i32
    %scan3A_3 = arith.constant 0 : i32
    %scan3A_4 = arith.constant 12 : i32
    %scan3A_5 = arith.addi %scan3A_3, %scan3A_4 : i32
    %scan3A_6 = arith.constant 1 : i32
    scf.for %scan3A_8 = %scan3A_3 to %scan3A_5 step %scan3A_6  : i32 {
      %dma_start3A = arith.constant 0 : i32
      %dma_start3A_9 = tpu.memref_slice %arg5[%scan3A_8, %dma_start3A] : memref<12x128xi32, #tpu.memory_space<vmem>> -> memref<1x128xi32, #tpu.memory_space<vmem>>
      %dma_start3A_10 = tpu.memref_squeeze %dma_start3A_9 : memref<1x128xi32, #tpu.memory_space<vmem>> -> memref<128xi32, #tpu.memory_space<vmem>>
      %dma_start3A_11 = arith.constant 0 : i32
      %dma_start3A_12 = arith.constant 0 : i32
      %dma_start3A_13 = tpu.memref_slice %arg3[%dma_start3A_11, %dma_start3A_12] : memref<1000000x128xf32, #tpu.memory_space<hbm>> -> memref<1000000x128xf32, #tpu.memory_space<hbm>>
      tpu.enqueue_indirect_dma source(%dma_start3A_13 : memref<1000000x128xf32, #tpu.memory_space<hbm>>) target(%arg6 : memref<128x128xf32, #tpu.memory_space<vmem>>) offsets(%dma_start3A_10 : memref<128xi32, #tpu.memory_space<vmem>>) semaphore(%arg7 : memref<!tpu.dma_semaphore, #tpu.memory_space<semaphore_mem>>)
      %dma_wait3A = arith.constant 0 : i32
      %dma_wait3A_14 = tpu.memref_slice %arg5[%scan3A_8, %dma_wait3A] : memref<12x128xi32, #tpu.memory_space<vmem>> -> memref<1x128xi32, #tpu.memory_space<vmem>>
      %dma_wait3A_15 = tpu.memref_squeeze %dma_wait3A_14 : memref<1x128xi32, #tpu.memory_space<vmem>> -> memref<128xi32, #tpu.memory_space<vmem>>
      %dma_wait3A_16 = arith.constant 0 : i32
      %dma_wait3A_17 = arith.constant 0 : i32
      %dma_wait3A_18 = tpu.memref_slice %arg3[%dma_wait3A_16, %dma_wait3A_17] : memref<1000000x128xf32, #tpu.memory_space<hbm>> -> memref<1000000x128xf32, #tpu.memory_space<hbm>>
      tpu.wait_indirect_dma semaphore(%arg7 : memref<!tpu.dma_semaphore, #tpu.memory_space<semaphore_mem>>) src(%dma_wait3A_18 : memref<1000000x128xf32, #tpu.memory_space<hbm>>) dst(%arg6 : memref<128x128xf32, #tpu.memory_space<vmem>>)
      %mul3A_19 = arith.constant 128 : i32
      %mul3A_20 = arith.muli %scan3A_8, %mul3A_19 : i32
      %add3A_21 = arith.addi %mul3A_2, %mul3A_20 : i32
      "tpu.region"() ({
        %run_scoped3A = tpu.sem_alloc : memref<!tpu.dma_semaphore, #tpu.memory_space<semaphore_mem>>
        %dma_start3A_22 = arith.constant 0 : i32
        %dma_start3A_23 = tpu.memref_slice %arg4[%add3A_21, %dma_start3A_22] : memref<49152x128xf32, #tpu.memory_space<hbm>> -> memref<128x128xf32, #tpu.memory_space<hbm>>
        %dma_start3A_24 = arith.constant 0 : i32
        %dma_start3A_25 = tpu.memref_slice %arg4[%add3A_21, %dma_start3A_24] : memref<49152x128xf32, #tpu.memory_space<hbm>> -> memref<128x128xf32, #tpu.memory_space<hbm>>
        tpu.enqueue_dma source(%arg6 : memref<128x128xf32, #tpu.memory_space<vmem>>) target(%dma_start3A_25 : memref<128x128xf32, #tpu.memory_space<hbm>>) target_semaphore(%run_scoped3A : memref<!tpu.dma_semaphore, #tpu.memory_space<semaphore_mem>>)
        %dma_wait3A_26 = arith.constant 0 : i32
        %dma_wait3A_27 = tpu.memref_slice %arg4[%add3A_21, %dma_wait3A_26] : memref<49152x128xf32, #tpu.memory_space<hbm>> -> memref<128x128xf32, #tpu.memory_space<hbm>>
        %dma_wait3A_28 = arith.constant 0 : i32
        %dma_wait3A_29 = tpu.memref_slice %arg4[%add3A_21, %dma_wait3A_28] : memref<49152x128xf32, #tpu.memory_space<hbm>> -> memref<128x128xf32, #tpu.memory_space<hbm>>
        tpu.wait_dma2 semaphore(%run_scoped3A : memref<!tpu.dma_semaphore, #tpu.memory_space<semaphore_mem>>) src(%arg6 : memref<128x128xf32, #tpu.memory_space<vmem>>) dst(%dma_wait3A_29 : memref<128x128xf32, #tpu.memory_space<hbm>>)
        tpu.yield
      }) : () -> ()
    }
    %scan3A_7 = arith.constant 12 : i32
    return
  }
}

module attributes {stable_mosaic.version = 14 : i64} {
  func.func @_mlp_body(%arg0: i32, %arg1: memref<2048x128xf32, #tpu.memory_space<vmem>>, %arg2: memref<64x128xf32, #tpu.memory_space<vmem>>, %arg3: memref<1x128xf32, #tpu.memory_space<vmem>>, %arg4: memref<1x128xf32, #tpu.memory_space<vmem>>, %arg5: memref<1x128xf32, #tpu.memory_space<vmem>>, %arg6: memref<1x128xf32, #tpu.memory_space<vmem>>, %arg7: memref<1x128xf32, #tpu.memory_space<vmem>>, %arg8: memref<128x128xf32, #tpu.memory_space<vmem>>, %arg9: memref<1x128xf32, #tpu.memory_space<vmem>>, %arg10: memref<2048x128xf32, #tpu.memory_space<vmem>>, %arg11: memref<2048x128xf32, #tpu.memory_space<vmem>>, %arg12: memref<2048x128xf32, #tpu.memory_space<vmem>>) attributes {dimension_semantics = [#tpu.dimension_semantics<arbitrary>], iteration_bounds = array<i64: 24>, scalar_prefetch = 0 : i64, scratch_operands = 0 : i64, tpu.core_type = #tpu.core_type<tc>, window_params = [{transform_indices = @transform_0, window_bounds = array<i64: 2048, 128>}, {pipeline_mode = #tpu.pipeline_mode<synchronous>, transform_indices = @transform_1, window_bounds = array<i64: 64, 128>}, {pipeline_mode = #tpu.pipeline_mode<synchronous>, transform_indices = @transform_2, window_bounds = array<i64: 1, 128>}, {pipeline_mode = #tpu.pipeline_mode<synchronous>, transform_indices = @transform_3, window_bounds = array<i64: 1, 128>}, {pipeline_mode = #tpu.pipeline_mode<synchronous>, transform_indices = @transform_4, window_bounds = array<i64: 1, 128>}, {pipeline_mode = #tpu.pipeline_mode<synchronous>, transform_indices = @transform_5, window_bounds = array<i64: 1, 128>}, {pipeline_mode = #tpu.pipeline_mode<synchronous>, transform_indices = @transform_6, window_bounds = array<i64: 1, 128>}, {pipeline_mode = #tpu.pipeline_mode<synchronous>, transform_indices = @transform_7, window_bounds = array<i64: 128, 128>}, {pipeline_mode = #tpu.pipeline_mode<synchronous>, transform_indices = @transform_8, window_bounds = array<i64: 1, 128>}, {transform_indices = @transform_9, window_bounds = array<i64: 2048, 128>}, {transform_indices = @transform_10, window_bounds = array<i64: 2048, 128>}, {transform_indices = @transform_11, window_bounds = array<i64: 2048, 128>}]} {
    %get3A = arith.constant 0 : index
    %get3A_0 = arith.constant 0 : index
    %get3A_1 = vector.load %arg1[%get3A, %get3A_0] : memref<2048x128xf32, #tpu.memory_space<vmem>>, vector<2048x64xf32>
    %get3A_2 = arith.constant 0 : index
    %get3A_3 = arith.constant 0 : index
    %get3A_4 = vector.load %arg2[%get3A_2, %get3A_3] : memref<64x128xf32, #tpu.memory_space<vmem>>, vector<64x128xf32>
    %dot_general3A = arith.constant dense<0.000000e+00> : vector<2048x128xf32>
    %dot_general3A_5 = tpu.matmul %get3A_1, %get3A_4, %dot_general3A {dimension_numbers = #tpu.dot_dimension_numbers<[1], [0], [0], [1], [0, 0, 1, 1], [], []>, transpose_lhs_hint = false} : vector<2048x64xf32>, vector<64x128xf32>, vector<2048x128xf32> -> vector<2048x128xf32>
    %get3A_6 = arith.constant 0 : index
    %get3A_7 = arith.constant 0 : index
    %get3A_8 = vector.load %arg3[%get3A_6, %get3A_7] : memref<1x128xf32, #tpu.memory_space<vmem>>, vector<1x128xf32>
    %add3A = vector.broadcast %get3A_8 : vector<1x128xf32> to vector<2048x128xf32>
    %add3A_9 = arith.addf %dot_general3A_5, %add3A : vector<2048x128xf32>
    %max3A = arith.constant 0.000000e+00 : f32
    %max3A_10 = vector.broadcast %max3A : f32 to vector<2048x128xf32>
    %max3A_11 = arith.maximumf %add3A_9, %max3A_10 : vector<2048x128xf32>
    %get3A_12 = arith.constant 0 : index
    %get3A_13 = arith.constant 0 : index
    %get3A_14 = vector.load %arg4[%get3A_12, %get3A_13] : memref<1x128xf32, #tpu.memory_space<vmem>>, vector<1x128xf32>
    %get3A_15 = arith.constant 0 : index
    %get3A_16 = arith.constant 0 : index
    %get3A_17 = vector.load %arg7[%get3A_15, %get3A_16] : memref<1x128xf32, #tpu.memory_space<vmem>>, vector<1x128xf32>
    %add3A_18 = arith.constant 1.000000e-03 : f32
    %add3A_19 = vector.broadcast %add3A_18 : f32 to vector<1x128xf32>
    %add3A_20 = arith.addf %get3A_17, %add3A_19 : vector<1x128xf32>
    %rsqrt3A = math.rsqrt %add3A_20 : vector<1x128xf32>
    %mul3A = arith.mulf %get3A_14, %rsqrt3A : vector<1x128xf32>
    %get3A_21 = arith.constant 0 : index
    %get3A_22 = arith.constant 0 : index
    %get3A_23 = vector.load %arg5[%get3A_21, %get3A_22] : memref<1x128xf32, #tpu.memory_space<vmem>>, vector<1x128xf32>
    %get3A_24 = arith.constant 0 : index
    %get3A_25 = arith.constant 0 : index
    %get3A_26 = vector.load %arg6[%get3A_24, %get3A_25] : memref<1x128xf32, #tpu.memory_space<vmem>>, vector<1x128xf32>
    %mul3A_27 = arith.mulf %get3A_26, %mul3A : vector<1x128xf32>
    %sub3A = arith.subf %get3A_23, %mul3A_27 : vector<1x128xf32>
    %mul3A_28 = vector.broadcast %mul3A : vector<1x128xf32> to vector<2048x128xf32>
    %mul3A_29 = arith.mulf %max3A_11, %mul3A_28 : vector<2048x128xf32>
    %add3A_30 = vector.broadcast %sub3A : vector<1x128xf32> to vector<2048x128xf32>
    %add3A_31 = arith.addf %mul3A_29, %add3A_30 : vector<2048x128xf32>
    %get3A_32 = arith.constant 0 : index
    %get3A_33 = arith.constant 0 : index
    %get3A_34 = vector.load %arg8[%get3A_32, %get3A_33] : memref<128x128xf32, #tpu.memory_space<vmem>>, vector<128x128xf32>
    %dot_general3A_35 = arith.constant dense<0.000000e+00> : vector<2048x128xf32>
    %dot_general3A_36 = tpu.matmul %add3A_31, %get3A_34, %dot_general3A_35 {dimension_numbers = #tpu.dot_dimension_numbers<[1], [0], [0], [1], [0, 0, 1, 1], [], []>, transpose_lhs_hint = false} : vector<2048x128xf32>, vector<128x128xf32>, vector<2048x128xf32> -> vector<2048x128xf32>
    %get3A_37 = arith.constant 0 : index
    %get3A_38 = arith.constant 0 : index
    %get3A_39 = vector.load %arg9[%get3A_37, %get3A_38] : memref<1x128xf32, #tpu.memory_space<vmem>>, vector<1x128xf32>
    %add3A_40 = vector.broadcast %get3A_39 : vector<1x128xf32> to vector<2048x128xf32>
    %add3A_41 = arith.addf %dot_general3A_36, %add3A_40 : vector<2048x128xf32>
    %lt3A = arith.constant 8 : i32
    %lt3A_42 = arith.cmpi slt, %arg0, %lt3A : i32
    %convert_element_type3A = arith.extui %lt3A_42 : i1 to i32
    %cond3A = arith.constant 0 : i32
    %cond3A_43 = arith.cmpi ne, %convert_element_type3A, %cond3A : i32
    scf.if %cond3A_43 {
      %swap3A = arith.constant 0 : index
      %swap3A_55 = arith.constant 0 : index
      %swap3A_56 = vector.load %arg10[%swap3A, %swap3A_55] : memref<2048x128xf32, #tpu.memory_space<vmem>>, vector<2048x128xf32>
      tpu.vector_store %arg10[%swap3A, %swap3A_55], %add3A_41 {strides = array<i32>} : memref<2048x128xf32, #tpu.memory_space<vmem>>, vector<2048x128xf32>,
    } else {
    }
    %ge3A = arith.constant 8 : i32
    %ge3A_44 = arith.cmpi sge, %arg0, %ge3A : i32
    %lt3A_45 = arith.constant 16 : i32
    %lt3A_46 = arith.cmpi slt, %arg0, %lt3A_45 : i32
    %and3A = arith.andi %ge3A_44, %lt3A_46 : i1
    %convert_element_type3A_47 = arith.extui %and3A : i1 to i32
    %cond3A_48 = arith.constant 0 : i32
    %cond3A_49 = arith.cmpi ne, %convert_element_type3A_47, %cond3A_48 : i32
    scf.if %cond3A_49 {
      %swap3A = arith.constant 0 : index
      %swap3A_55 = arith.constant 0 : index
      %swap3A_56 = vector.load %arg11[%swap3A, %swap3A_55] : memref<2048x128xf32, #tpu.memory_space<vmem>>, vector<2048x128xf32>
      tpu.vector_store %arg11[%swap3A, %swap3A_55], %add3A_41 {strides = array<i32>} : memref<2048x128xf32, #tpu.memory_space<vmem>>, vector<2048x128xf32>,
    } else {
    }
    %ge3A_50 = arith.constant 16 : i32
    %ge3A_51 = arith.cmpi sge, %arg0, %ge3A_50 : i32
    %convert_element_type3A_52 = arith.extui %ge3A_51 : i1 to i32
    %cond3A_53 = arith.constant 0 : i32
    %cond3A_54 = arith.cmpi ne, %convert_element_type3A_52, %cond3A_53 : i32
    scf.if %cond3A_54 {
      %swap3A = arith.constant 0 : index
      %swap3A_55 = arith.constant 0 : index
      %swap3A_56 = vector.load %arg12[%swap3A, %swap3A_55] : memref<2048x128xf32, #tpu.memory_space<vmem>>, vector<2048x128xf32>
      tpu.vector_store %arg12[%swap3A, %swap3A_55], %add3A_41 {strides = array<i32>} : memref<2048x128xf32, #tpu.memory_space<vmem>>, vector<2048x128xf32>,
    } else {
    }
    return
  }
  func.func @transform_0(%arg0: i32) -> (i32, i32) {
    %c0_i32 = arith.constant 0 : i32
    %c0_i32_0 = arith.constant 0 : i32
    return %arg0, %c0_i32 : i32, i32
  }
  func.func @transform_1(%arg0: i32) -> (i32, i32) {
    %c0_i32 = arith.constant 0 : i32
    %c0_i32_0 = arith.constant 0 : i32
    %c0_i32_1 = arith.constant 0 : i32
    return %c0_i32, %c0_i32_0 : i32, i32
  }
  func.func @transform_2(%arg0: i32) -> (i32, i32) {
    %c0_i32 = arith.constant 0 : i32
    %c0_i32_0 = arith.constant 0 : i32
    %c0_i32_1 = arith.constant 0 : i32
    return %c0_i32, %c0_i32_0 : i32, i32
  }
  func.func @transform_3(%arg0: i32) -> (i32, i32) {
    %c0_i32 = arith.constant 0 : i32
    %c0_i32_0 = arith.constant 0 : i32
    %c0_i32_1 = arith.constant 0 : i32
    return %c0_i32, %c0_i32_0 : i32, i32
  }
  func.func @transform_4(%arg0: i32) -> (i32, i32) {
    %c0_i32 = arith.constant 0 : i32
    %c0_i32_0 = arith.constant 0 : i32
    %c0_i32_1 = arith.constant 0 : i32
    return %c0_i32, %c0_i32_0 : i32, i32
  }
  func.func @transform_5(%arg0: i32) -> (i32, i32) {
    %c0_i32 = arith.constant 0 : i32
    %c0_i32_0 = arith.constant 0 : i32
    %c0_i32_1 = arith.constant 0 : i32
    return %c0_i32, %c0_i32_0 : i32, i32
  }
  func.func @transform_6(%arg0: i32) -> (i32, i32) {
    %c0_i32 = arith.constant 0 : i32
    %c0_i32_0 = arith.constant 0 : i32
    %c0_i32_1 = arith.constant 0 : i32
    return %c0_i32, %c0_i32_0 : i32, i32
  }
  func.func @transform_7(%arg0: i32) -> (i32, i32) {
    %c0_i32 = arith.constant 0 : i32
    %c0_i32_0 = arith.constant 0 : i32
    %c0_i32_1 = arith.constant 0 : i32
    return %c0_i32, %c0_i32_0 : i32, i32
  }
  func.func @transform_8(%arg0: i32) -> (i32, i32) {
    %c0_i32 = arith.constant 0 : i32
    %c0_i32_0 = arith.constant 0 : i32
    %c0_i32_1 = arith.constant 0 : i32
    return %c0_i32, %c0_i32_0 : i32, i32
  }
  func.func @transform_9(%arg0: i32) -> (i32, i32) {
    %sub3A = arith.constant 0 : i32
    %sub3A_0 = arith.subi %arg0, %sub3A : i32
    %jit3A = arith.constant 0 : i32
    %jit3A_1 = arith.constant 7 : i32
    %max3A = arith.maxsi %jit3A, %sub3A_0 : i32
    %min3A = arith.minsi %jit3A_1, %max3A : i32
    %c0_i32 = arith.constant 0 : i32
    %c0_i32_2 = arith.constant 0 : i32
    return %min3A, %c0_i32 : i32, i32
  }
  func.func @transform_10(%arg0: i32) -> (i32, i32) {
    %sub3A = arith.constant 8 : i32
    %sub3A_0 = arith.subi %arg0, %sub3A : i32
    %jit3A = arith.constant 0 : i32
    %jit3A_1 = arith.constant 7 : i32
    %max3A = arith.maxsi %jit3A, %sub3A_0 : i32
    %min3A = arith.minsi %jit3A_1, %max3A : i32
    %c0_i32 = arith.constant 0 : i32
    %c0_i32_2 = arith.constant 0 : i32
    return %min3A, %c0_i32 : i32, i32
  }
  func.func @transform_11(%arg0: i32) -> (i32, i32) {
    %sub3A = arith.constant 16 : i32
    %sub3A_0 = arith.subi %arg0, %sub3A : i32
    %jit3A = arith.constant 0 : i32
    %jit3A_1 = arith.constant 7 : i32
    %max3A = arith.maxsi %jit3A, %sub3A_0 : i32
    %min3A = arith.minsi %jit3A_1, %max3A : i32
    %c0_i32 = arith.constant 0 : i32
    %c0_i32_2 = arith.constant 0 : i32
    return %min3A, %c0_i32 : i32, i32
  }
}

</mosaic_0001>

<sc_bundles>
// kernel: kernel.4.cloned.1.call-start
scs
__scs_entry_jumppad:
0x0: {  	(pc) =	sbr.rel $0x88, $3  }
0x1: {  	(tag) =	ssettag $0x0;
	lr =	simm.s32 $0x1  }
0x2: {  	[smem:$0x3F95] =	sst lr;
	_ =	strace $0xD0000000  }
0x3: {  	_ = 	snop  }
0x4: {  	_ = 	snop  }
0x5: {  	_ = 	snop  }
0x6: {  	_ = 	snop  }
0x7: {  	_ = 	snop  }
__scs_overlays_trampoline_lowered:
0x8: {  	[smem:$0x3FA4] =	sst s0  }
0x9: {  	[smem:$0x3FA5] =	sst s1  }
0xa: {  	[smem:$0x3FA6] =	sst s2  }
0xb: {  	[smem:$0x3FA7] =	sst s3  }
0xc: {  	[smem:$0x3FA8] =	sst s4  }
0xd: {  	[smem:$0x3FA9] =	sst s5  }
0xe: {  	[smem:$0x3FAA] =	sst s6  }
0xf: {  	[smem:$0x3FAB] =	sst s7  }
0x10: {  	[smem:$0x3FAC] =	sst s8  }
0x11: {  	[smem:$0x3FAD] =	sst s9;
	s0 =	simm.s32 @!p0 $0x0  }
0x12: {  	s1 =	sld [smem:$0x3F93];
	s0 =	simm.s32 @p0 $0x1  }
0x13: {  	[smem:$0x3FAE] =	sst s0;
	s0 =	simm.s32 @!p1 $0x0  }
0x14: {  	s2 =	sld [smem:$0x3F92];
	s0 =	simm.s32 @p1 $0x1  }
0x15: {  	[smem:$0x3FAF] =	sst s0;
	s0 =	simm.s32 @!p2 $0x0  }
0x16: {  	s3 =	sld [smem:$0x3FDB];
	s0 =	simm.s32 @p2 $0x1  }
0x17: {  	s4 =	simm.s32 $0x1BF5;
	[smem:$0x3FB1] =	sst s0  }
0x18: {  	s0 =	sld [smem:$0x3F94];
	_ =	swait.ge [sflag:s4], $0x0  }
0x19: {  	s7 =	sld [smem:$0x3F95]  }
0x1a: {  	s8 =	sadd.s32 $0xFFFFE003, lr  }
0x1b: {  	s9 =	sadd.s32 $0xFFFFFEF7, lr;
	s5 =	simm.s32 $0xFFFFFFFF;
	p2 =	slt.u32 s8, $0xFFFFF086  }
0x1c: {  	p1 =	slt.u32 s9, $0xF7A;
	s5 =	simm.s32 @!p2 $0x0  }
0x1d: {  	s5 =	simm.s32 @p1 $0x1;
	p0 =	seq.s32 s7, s2  }
0x1e: {  	s7 =	smul.u32 @!p0 $0xF7A, s2;
	p2 =	seq.s32 @!p0 s5, $0x0  }
0x1f: {  	s9 =	smul.u32 $0xF7A, s1;
	s8 =	simm.s32 @!p0 $0x1BF5;
	p2 =	por !p2, p0  }
0x20: {  	[sflag:s8] =	ssyncset.s32 @!p0 $0xFFFFF086;
	s6 =	sadd.s32 @!p0 s3, s7;
	s7 =	simm.s32 @!p0 $0x108  }
0x21: {  	s3 =	sadd.s32 s3, s9;
	s6 =	sadd.s32 @!p0 $0x88, s6;
	s7 =	simm.s32 @p2 $0x1082  }
0x22: {  	[simem:s7], [sflag:s8] =	dma.local @!p0 [hbm:s6], $0xF7A  }
0x23: {  	s9 =	sor.u32 $0xD0000000, s2;
	s6 =	simm.s32 $0x108;
	_ =	swait.ge @!p0 [sflag:s8], $0x0  }
0x24: {  	s3 =	sadd.s32 $0x88, s3;
	s6 =	simm.s32 @!p1 $0x1082;
	[sflag:s4] =	ssyncset.s32 $0xFFFFF086  }
0x25: {  	[simem:s6], [sflag:s4] =	dma.local [hbm:s3], $0xF7A  }
0x26: {  	[smem:$0x3F95] =	sst s1;
	(tag) =	ssettag s2;
	_ =	strace s9  }
0x27: {  	s1 =	sld [smem:$0x3FA5]  }
0x28: {  	s2 =	sld [smem:$0x3FA6]  }
0x29: {  	s4 =	sld [smem:$0x3FA8]  }
0x2a: {  	p0 =	seq.s32 s5, $0x0;
	s5 =	sld [smem:$0x3FA9]  }
0x2b: {  	s6 =	sld [smem:$0x3FAA]  }
0x2c: {  	s7 =	sld [smem:$0x3FAB]  }
0x2d: {  	s3 =	simm.s32 $0x108;
	s8 =	sld [smem:$0x3FAC]  }
0x2e: {  	s3 =	simm.s32 @!p0 $0x1082;
	s9 =	sld [smem:$0x3FAD]  }
0x2f: {  	lr =	sadd.s32 s0, s3;
	s0 =	sld [smem:$0x3FA4]  }
0x30: {  	s3 =	sld [smem:$0x3FA7]  }
0x31: {  	[smem:$0x3FB0] =	sst s10  }
0x32: {  	s10 =	sld [smem:$0x3FAE];
	_ =	sdelay $0x3  }
0x33: {  	p0 =	seq.s32 s10, $0x1;
	s10 =	sld [smem:$0x3FB0];
	_ =	sdelay $0x3  }
0x34: {  	[smem:$0x3FB0] =	sst s10  }
0x35: {  	s10 =	sld [smem:$0x3FAF];
	_ =	sdelay $0x3  }
0x36: {  	p1 =	seq.s32 s10, $0x1;
	s10 =	sld [smem:$0x3FB0];
	_ =	sdelay $0x3  }
0x37: {  	[smem:$0x3FB0] =	sst s10  }
0x38: {  	s10 =	sld [smem:$0x3FB1]  }
0x39: {  	_ = 	snop;
	(pc) =	sbr.ind lr, $3  }
0x3a: {  	_ = 	snop  }
0x3b: {  	_ = 	snop  }
0x3c: {  	p2 =	seq.s32 s10, $0x1;
	s10 =	sld [smem:$0x3FB0]  }
0x3d: {  	_ =	shalt  }
0x3e: {  	_ =	shalt  }
0x3f: {  	_ =	shalt  }
0x40: {  	_ =	shalt  }
0x41: {  	_ =	shalt  }
0x42: {  	_ =	shalt  }
0x43: {  	_ =	shalt  }
0x44: {  	_ =	shalt  }
0x45: {  	_ =	shalt  }
0x46: {  	_ =	shalt  }
0x47: {  	_ =	shalt  }
0x48: {  	_ =	shalt  }
0x49: {  	_ =	shalt  }
0x4a: {  	_ =	shalt  }
0x4b: {  	_ =	shalt  }
0x4c: {  	_ =	shalt  }
0x4d: {  	_ =	shalt  }
0x4e: {  	_ =	shalt  }
0x4f: {  	_ =	shalt  }
0x50: {  	_ =	shalt  }
0x51: {  	_ =	shalt  }
0x52: {  	_ =	shalt  }
0x53: {  	_ =	shalt  }
0x54: {  	_ =	shalt  }
0x55: {  	_ =	shalt  }
0x56: {  	_ =	shalt  }
0x57: {  	_ =	shalt  }
0x58: {  	_ =	shalt  }
0x59: {  	_ =	shalt  }
0x5a: {  	_ =	shalt  }
0x5b: {  	_ =	shalt  }
0x5c: {  	_ =	shalt  }
0x5d: {  	_ =	shalt  }
0x5e: {  	_ =	shalt  }
0x5f: {  	_ =	shalt  }
0x60: {  	_ =	shalt  }
0x61: {  	_ =	shalt  }
0x62: {  	_ =	shalt  }
0x63: {  	_ =	shalt  }
0x64: {  	_ =	shalt  }
0x65: {  	_ =	shalt  }
0x66: {  	_ =	shalt  }
0x67: {  	_ =	shalt  }
0x68: {  	_ =	shalt  }
0x69: {  	_ =	shalt  }
0x6a: {  	_ =	shalt  }
0x6b: {  	_ =	shalt  }
0x6c: {  	_ =	shalt  }
0x6d: {  	_ =	shalt  }
0x6e: {  	_ =	shalt  }
0x6f: {  	_ =	shalt  }
0x70: {  	_ =	shalt  }
0x71: {  	_ =	shalt  }
0x72: {  	_ =	shalt  }
0x73: {  	_ =	shalt  }
0x74: {  	_ =	shalt  }
0x75: {  	_ =	shalt  }
0x76: {  	_ =	shalt  }
0x77: {  	_ =	shalt  }
0x78: {  	_ =	shalt  }
0x79: {  	_ =	shalt  }
0x7a: {  	_ =	shalt  }
0x7b: {  	_ =	shalt  }
0x7c: {  	_ =	shalt  }
0x7d: {  	_ =	shalt  }
0x7e: {  	_ =	shalt  }
0x7f: {  	_ =	shalt  }
0x80: {  	_ =	shalt  }
0x81: {  	_ =	shalt  }
0x82: {  	_ =	shalt  }
0x83: {  	_ =	shalt  }
0x84: {  	_ =	shalt  }
0x85: {  	_ =	shalt  }
0x86: {  	_ =	shalt  }
0x87: {  	_ =	shalt  }
.Lfunc_end0:
.L_simem_size_0:
called_computation_lowered:
.L_overlay_start_0:
0x88: {  	s2 =	sld [smem:$0x3FD9]  }
0x89: {  	s3 =	sld [smem:$0x3FFE];
	_ =	sdelay $0x1  }
0x8a: {  	s1 =	srdreg.scid  }
0x8b: {  	s0 =	sand.u32 $0x1, s1  }
0x8c: {  	s14 =	sshll.u32 s0, $0xA;
	s2 =	sadd.s32 s3, s2  }
0x8d: {  	s2 =	sadd.s32 s2, s14  }
0x8e: {  	[smem:$0x3FBC] =	sst s2  }
0x8f: {  	_ = 	snop  }
0x90: {  	s2 =	sld [smem:$0x3FD0];
	_ =	sdelay $0x2  }
0x91: {  	s15 =	simm.s32 $0xA;
	s4 =	simm.s32 $0x10  }
0x92: {  	[smem:s4], [sflag:s15] =	dma.local [hbm:s2], $0x1  }
0x93: {  	_ =	swait.eq [sflag:s15], $0x1  }
0x94: {  	[sflag:s15] =	ssyncset.done $0x0  }
0x95: {  	[sflag:s15] =	ssyncadd.s32 $0xFFFFFFFF  }
0x96: {  	s16 =	sld [smem:$0x12];
	(tm) =	ssettm $0x1  }
0x97: {  	s17 =	sld [smem:$0x3FFB];
	_ =	sdelay $0x3  }
0x98: {  	_ =	strace s17  }
0x99: {  	s3 =	sld [smem:$0x3FFC];
	_ =	sdelay $0x3  }
0x9a: {  	_ =	strace s3  }
0x9b: {  	s3 =	sld [smem:$0x3FFD];
	_ =	sdelay $0x3  }
0x9c: {  	_ =	strace s3  }
0x9d: {  	_ =	strace $0x8FFFFFFF  }
0x9e: {  	s18 =	sld [smem:$0x3FDB];
	_ =	sdelay $0x1  }
0x9f: {  	s19 =	simm.s32 $_scs_section_size  }
0xa0: {  	s5 =	simm.s32 $_size__tile_overlayer_lowered;
	s6 =	simm.s32 $_tile_overlayer_lowered  }
0xa1: {  	s22 =	simm.s32 $0x1BFF;
	s21 =	sshll.u32 s6, $0x1;
	s3 =	sadd.s32 s19, s18  }
0xa2: {  	s7 =	simm.s32 $0x0;
	s20 =	sshll.u32 s5, $0x1;
	s5 =	sadd.s32 s21, s3  }
0xa3: {  	[timem:s7], [sflag:s22] =	dma.local [hbm:s5], s20  }
0xa4: {  	_ =	swait.ge [sflag:s22], s20  }
0xa5: {  	s4 =	ssub.s32 $0x0, s20;
	[sflag:s22] =	ssyncset.done $0x0  }
0xa6: {  	[sflag:s22] =	ssyncadd.s32 s4;
	_ =	sdelay $0x1  }
0xa7: {  	s23 =	simm.s32 $0x1B8B  }
0xa8: {  	_ =	swait.ge [sflag:s23], $0x1  }
0xa9: {  	[sflag:s23] =	ssyncset.done $0x0  }
0xaa: {  	s25 =	simm.s32 $0x1B8E;
	s24 =	sld [smem:$0x3FFE];
	[sflag:s23] =	ssyncadd.s32 $0xFFFFFFFF  }
0xab: {  	s26 =	simm.s32 $execute0_lowered;
	[smem:$0x3FD2] =	sst s25  }
0xac: {  	s5 =	sshll.u32 s26, $0x1;
	_ =	strace $0x80000046;
	[dreg:$0x1] =	wrdreg $0xFFFFFFFF  }
0xad: {  	s28 =	simm.s32 $_size_execute0_lowered;
	s3 =	sadd.s32 s3, s5;
	[dreg:$0x0] =	wrdreg $0x0  }
0xae: {  	s5 =	sshll.u32 s28, $0x1;
	[dreg:$0x2] =	wrdreg s3  }
0xaf: {  	[dreg:$0x3] =	wrdreg s5  }
0xb0: {  	[dreg:$0x4] =	wrdreg $0xC0  }
0xb1: {  	_ =	task [dreg:s7], $0x5FFFF  }
0xb2: {  	[dreg:$0x1] =	wrdreg $0xFFFFFFFF  }
0xb3: {  	[dreg:$0x0] =	wrdreg $0x60  }
0xb4: {  	[dreg:$0x2] =	wrdreg s16  }
0xb5: {  	[dreg:$0x3] =	wrdreg s24  }
0xb6: {  	[dreg:$0x4] =	wrdreg $0x9  }
0xb7: {  	_ =	task.clear_ibuf [dreg:s7], $0x5FFFF;
	_ =	strace $0x90000046  }
0xb8: {  	s29 =	simm.s32 $0x9;
	_ =	strace $0x80000048  }
0xb9: {  	_ =	swait.ge [sflag:s29], $0x1  }
0xba: {  	[sflag:s29] =	ssyncadd.s32 $0xFFFFFFFF  }
0xbb: {  	_ =	strace $0x90000048  }
0xbc: {  	_ =	sfence  }
0xbd: {  	s30 =	sld [smem:$0x0];
	_ =	sdelay $0x2  }
0xbe: {  	s31 =	sshll.u32 s1, $0xD;
	s1 =	sshrl.u32 s1, $0x2  }
0xbf: {  	s3 =	sand.u32 $0x4000, s31;
	s1 =	sadd.s32 s1, s30  }
0xc0: {  	s0 =	sor.u32 s3, s0;
	s1 =	sshll.u32 s1, $0x11  }
0xc1: {  	s0 =	sor.u32 s1, s0  }
0xc2: {  	s0 =	sadd.s32 $0x8F2B, s0  }
0xc3: {  	[sflag:s0] =	ssyncadd.remote.s32 $0x1  }
0xc4: {  	_ =	sfence.sel $0xFFFF  }
0xc5: {  	[dreg:$0x0] =	wrdreg $0xFFFFFFFF;
	(pc) =	sbr.abs _section_cstart, $3  }
0xc6: {  	[dreg:$0x1] =	wrdreg $0xFFFFFFFF  }
0xc7: {  	_ =	task.clear_ibuf [dreg:s7], $0x2FFFF;
	_ =	strace $0x9FFFFFFF  }
0xc8: {  	(tm) =	ssettm $0x7FFFFFFF  }
0xc9: {  	_ =	shalt  }
tec
execute0_lowered:
.L_overlay_start_1:
0x0: {  	(tag) =	ssettag $0x1  }
0x1: {  	s4 =	rddreg [dreg:$0x0]  }
0x2: {  	s5 =	rddreg [dreg:$0x1]  }
0x3: {  	s0 =	rddreg [dreg:$0x2];
	s1 =	simm.s32 $0x0;
	s2 =	srdreg.scid  }
0x4: {  	[smem:$0x7FF] =	sst s1;
	s6 =	sand.u32 $0x1, s2  }
0x5: {  	s2 =	stileid.u32;
	s3 =	sadd.s32 $0xF43E00, s5;
	_ =	strace $0x80000047  }
0x6: {  	s7 =	ssub.s32 $0x2, s6;
	s8 =	smul.u32 $0xC000, s2;
	s10 =	sshll.u32 s2, $0x9  }
0x7: {  	s11 =	sshll.u32 s6, $0x8;
	s6 =	smul.u32 $0x6000, s6;
	s9 =	sshrl.u32 s7, $0x1  }
0x8: {  	s31 =	sor.u32 s11, s10;
	s10 =	simm.s32 $0x1;
	s11 =	simm.s32 $0x0  }
0x9: {  	s8 =	sadd.s32 s8, s5;
	s30 =	ssub.s32 s7, s9;
	s4 =	sadd.s32 s4, s31  }
0xa: {  	s7 =	simm.s32 $0x2;
	s9 =	simm.s32 $0x800;
	s6 =	sadd.s32 s6, s8  }
0xb: {  	s5 =	smax.u32 s30, $0x1;
	s8 =	simm.s32 $0x80;
	s6 =	sadd.s32 $0x1A00, s6  }
.LBB2_1:
0xc: {  	[tilespmem:s1], [sflag:$0x2] =	stream.linear.gather [hbm4b:s4+s1], $0x600, $0x38;
	[tilespmem:$0x4800] =	vst v63  }
0xd: {  	_ =	swait.ge [sflag:s7], $0x600  }
0xe: {  	[sflag:s7] =	ssyncset.done $0x0  }
0xf: {  	s12 =	simm.s32 $0x0;
	[sflag:s7] =	ssyncadd.s32 $0xFFFFFA00  }
0x10: {  	[tilespmem:s9], [sflag:$0x1] =	stream.indirect.gather [hbm4b:s3+s8], $0x80, s12, s8, $0xb8;
	[tilespmem:$0x4800] =	vst v63  }
0x11: {  	_ =	swait.ge [sflag:s10], $0x4000  }
0x12: {  	[sflag:s10] =	ssyncset.done $0x0  }
0x13: {  	[sflag:s10] =	ssyncadd.s32 $0xFFFFC000  }
0x14: {  	[hbm4b:s6+s1] =	stream.linear.scatter [tilespmem:s9], [sflag:$0x2], $0x4000, $0x38;
	[tilespmem:$0x4800] =	vst v63  }
0x15: {  	s13 =	simm.s32 $0x200;
	_ =	swait.ge [sflag:s7], $0x4000  }
0x16: {  	s14 =	simm.s32 $0x400;
	s12 =	sadd.s32 $0x800, s6;
	[sflag:s7] =	ssyncset.done $0x0  }
.LBB2_2:
0x17: {  	s15 =	sshra.s32 s13, $0x2  }
0x18: {  	[sflag:s7] =	ssyncadd.s32 $0xFFFFC000;
	s13 =	smov.u32 s14;
	s16 =	sadd.s32 $0x200, s14  }
0x19: {  	[tilespmem:s9], [sflag:$0x1] =	stream.indirect.gather [hbm4b:s3+s8], $0x80, s15, s8, $0xb8;
	[tilespmem:$0x4800] =	vst v63  }
0x1a: {  	p0 =	sne.s32 s14, $0x1600;
	_ =	swait.ge [sflag:s10], $0x4000  }
.Ltmp0:
0x1b: {  	[sflag:s10] =	ssyncset.done $0x0;
	(pc) =	sbr.rel @p0 .LBB2_2-.Ltmp0, $4  }
0x1c: {  	[sflag:s10] =	ssyncadd.s32 $0xFFFFC000  }
0x1d: {  	[hbm4b:s12+s1] =	stream.linear.scatter [tilespmem:s9], [sflag:$0x2], $0x4000, $0x38;
	[tilespmem:$0x4800] =	vst v63  }
0x1e: {  	_ =	swait.ge [sflag:s7], $0x4000  }
0x1f: {  	s14 =	smov.u32 s16;
	s12 =	sadd.s32 $0x800, s12;
	[sflag:s7] =	ssyncset.done $0x0  }
0x20: {  	s13 =	sshra.s32 s13, $0x2;
	[sflag:s7] =	ssyncadd.s32 $0xFFFFC000  }
0x21: {  	[tilespmem:s9], [sflag:$0x1] =	stream.indirect.gather [hbm4b:s3+s8], $0x80, s13, s8, $0xb8;
	[tilespmem:$0x4800] =	vst v63  }
0x22: {  	s11 =	sadd.s32 $0x1, s11;
	_ =	swait.ge [sflag:s10], $0x4000  }
0x23: {  	p0 =	sne.s32 s11, s5;
	[sflag:s10] =	ssyncset.done $0x0  }
.Ltmp1:
0x24: {  	[sflag:s10] =	ssyncadd.s32 $0xFFFFC000;
	(pc) =	sbr.rel @p0 .LBB2_1-.Ltmp1, $4  }
0x25: {  	[hbm4b:s12+s1] =	stream.linear.scatter [tilespmem:s9], [sflag:$0x2], $0x4000, $0x38;
	[tilespmem:$0x4800] =	vst v63  }
0x26: {  	_ =	swait.ge [sflag:s7], $0x4000  }
0x27: {  	[sflag:s7] =	ssyncset.done $0x0  }
0x28: {  	[sflag:s7] =	ssyncadd.s32 $0xFFFFC000  }
0x29: {  	_ =	sfence.sel $0x180000  }
0x2a: {  	[bflag:$0x0] =	sbarrier.arrive $0xFFFF  }
0x2b: {  	p0 =	sne.s32 s2, $0x0;
	_ =	strace $0x90000047  }
0x2c: {  	s0 =	sadd.s32 @!p0 $0x100000, s0;
	[bflag:$0x2] =	sbarrier.arrive $0xFFFF  }
0x2d: {  	[sflag:s0] =	ssyncadd.tile.s32 @!p0 $0x1;
	_ =	shalt  }
.Lfunc_end2:
_tile_overlayer_lowered:
.L_overlay_start_2:
0x2e: {  	(tag) =	ssettag $0x2  }
0x2f: {  	s0 =	rddreg [dreg:$0x0];
	s2 =	stileid.u32  }
0x30: {  	s1 =	rddreg [dreg:$0x1];
	p0 =	sne.s32 s2, $0x0  }
0x31: {  	s3 =	rddreg [dreg:$0x2];
	[bflag:$0x3] =	sbarrier.arrive $0xFFFF;
	s2 =	simm.s32 @!p0 $0x1C02  }
0x32: {  	[timem:s3], [sflag:s2] =	dma.local @!p0 [hbm:s0], s1  }
0x33: {  	s0 =	simm.s32 @!p0 $0x2  }
0x34: {  	_ =	swait.ge @!p0 [sflag:s0], s1  }
0x35: {  	s1 =	ssub.s32 @!p0 $0x0, s1;
	[sflag:s0] =	ssyncset.done @!p0 $0x0  }
0x36: {  	[sflag:s0] =	ssyncadd.s32 @!p0 s1  }
0x37: {  	[bflag:$0x3] =	sbarrier.arrive $0xFFFF  }
0x38: {  	_ =	shalt  }

</sc_bundles>
